<compile_context>
chip_gen: v7x
topology: tpu7x:2x2x1
jax: 0.10.2.dev20260603
libtpu: 0.0.44.dev20260713+nightly
codegen_flags: <defaults>
</compile_context>

<pallas_src>
import functools

import jax
import jax.numpy as jnp
from jax import lax
from jax.experimental import pallas as pl
from jax.experimental.pallas import tpu as pltpu
from jax.experimental.pallas import tpu_sc as plsc

_LN2 = 0.6931471805599453


def _table_body(x_ref, win_ref, out_ref):
    n = x_ref.shape[0]
    out_ref[0:n, :] = jnp.dot(x_ref[...], win_ref[...],
                              preferred_element_type=jnp.float32)
    out_ref[n:, :] = jnp.zeros_like(out_ref[n:, :])


def _make_sc_gather(n_rows, d, nw):
    rows_per_w = n_rows // nw
    chunks = rows_per_w // 128
    mesh = plsc.VectorSubcoreMesh(core_axis_name="c", subcore_axis_name="s")

    @functools.partial(
        pl.kernel, mesh=mesh,
        out_type=jax.ShapeDtypeStruct((n_rows, d), jnp.float32),
        scratch_types=[
            pltpu.VMEM((chunks, 128), jnp.int32),
            pltpu.VMEM((128, d), jnp.float32),
            pltpu.SemaphoreType.DMA,
        ],
    )
    def gather(table_hbm, idx_hbm, out_hbm, idx_v, rows_v, sem):
        nc = 2
        wid = lax.axis_index("s") * nc + lax.axis_index("c")
        pltpu.sync_copy(idx_hbm.at[pl.ds(wid * chunks, chunks)], idx_v)

        def body(j, carry):
            pltpu.async_copy(table_hbm.at[idx_v.at[j]], rows_v, sem).wait()
            base = wid * rows_per_w + j * 128
            pltpu.sync_copy(rows_v, out_hbm.at[pl.ds(base, 128)])
            return carry

        lax.fori_loop(0, chunks, body, 0)

    return gather


def _main_body(f_ref, yg_ref, wf1_ref, bf1_ref, wf2_ref, bf2_ref,
               wout_ref, bout_ref, out_ref, *, nn, na):
    ng = f_ref.shape[1]
    rows = nn * na

    f = f_ref[0].reshape(ng, rows)
    h = lax.dot_general(f, wf1_ref[...], (((0,), (0,)), ((), ())),
                        preferred_element_type=jnp.float32) + bf1_ref[...]
    u = (jnp.log2(1.0 + jnp.exp(h)) - 1.0) * _LN2
    w = jnp.dot(u, wf2_ref[...], preferred_element_type=jnp.float32) + bf2_ref[...]

    agg = jnp.sum((w * yg_ref[0]).reshape(nn, na, -1), axis=0)
    out_ref[0] = jnp.dot(agg, wout_ref[...],
                         preferred_element_type=jnp.float32) + bout_ref[...]


def kernel(x, r_ij, neighbors, pairwise_mask, f_ij, W_in2f, W_f1, b_f1,
           W_f2, b_f2, W_out, b_out):
    Nb, Na, nin = x.shape
    Nn = neighbors.shape[-1]
    ng = f_ij.shape[-1]
    nf = W_f1.shape[-1]
    nout = W_out.shape[-1]
    n_rows = Nb * Nn * Na

    ft = jnp.transpose(f_ij, (0, 3, 2, 1))
    nbt = jnp.transpose(neighbors.astype(jnp.int32), (0, 2, 1))
    mt = jnp.transpose(pairwise_mask, (0, 2, 1))

    y_table = pl.pallas_call(
        _table_body,
        out_shape=jax.ShapeDtypeStruct((Nb * Na + 128, nf), jnp.float32),
    )(x.reshape(Nb * Na, nin), W_in2f)

    base = (jnp.arange(Nb, dtype=jnp.int32) * Na)[:, None, None]
    flat_idx = jnp.where(mt != 0.0, nbt + base, Nb * Na)
    flat_idx = flat_idx.reshape(n_rows // 128, 128)

    y_g = _make_sc_gather(n_rows, nf, 32)(y_table, flat_idx)
    y_g = y_g.reshape(Nb, Nn * Na, nf)

    out = pl.pallas_call(
        functools.partial(_main_body, nn=Nn, na=Na),
        grid=(Nb,),
        in_specs=[
            pl.BlockSpec((1, ng, Nn, Na), lambda b: (b, 0, 0, 0)),
            pl.BlockSpec((1, Nn * Na, nf), lambda b: (b, 0, 0)),
            pl.BlockSpec((ng, nf), lambda b: (0, 0)),
            pl.BlockSpec((1, nf), lambda b: (0, 0)),
            pl.BlockSpec((nf, nf), lambda b: (0, 0)),
            pl.BlockSpec((1, nf), lambda b: (0, 0)),
            pl.BlockSpec((nf, nout), lambda b: (0, 0)),
            pl.BlockSpec((1, nout), lambda b: (0, 0)),
        ],
        out_specs=pl.BlockSpec((1, Na, nout), lambda b: (b, 0, 0)),
        out_shape=jax.ShapeDtypeStruct((Nb, Na, nout), jnp.float32),
        compiler_params=pltpu.CompilerParams(
            dimension_semantics=("arbitrary",),
        ),
    )(ft, y_g, W_f1, b_f1.reshape(1, -1), W_f2,
      b_f2.reshape(1, -1), W_out, b_out.reshape(1, -1))
    return out

# --- scband reference (transcript-rebuilt; emitter-appended) ---
"""Pipeline reference for scband-cacfconv-57535381897789 (READ-ONLY COPY).

The authoritative reference and input builder live on the scoring server;
editing this copy changes nothing except your own understanding.
"""

import jax, jax.numpy as jnp
import numpy as np


def ssp(x):
    return jax.nn.softplus(x) - jnp.log(2.0)


def setup_inputs(seed: int = 0) -> dict:
    key = jax.random.key(seed)
    ks = jax.random.split(key, 10)
    Nb, Na, Nn, ng, nin, nf, nout = 32, 128, 64, 50, 128, 128, 128
    inp = {}
    inp["x"] = jax.random.normal(ks[0], (Nb, Na, nin), dtype=jnp.float32)
    inp["r_ij"] = jax.random.uniform(ks[1], (Nb, Na, Nn), dtype=jnp.float32) * 5.0
    inp["neighbors"] = jax.random.randint(ks[2], (Nb, Na, Nn), 0, Na)
    inp["pairwise_mask"] = jnp.ones((Nb, Na, Nn), dtype=jnp.float32)
    inp["f_ij"] = jax.random.uniform(ks[3], (Nb, Na, Nn, ng), dtype=jnp.float32)
    inp["W_in2f"] = jax.random.normal(ks[4], (nin, nf), dtype=jnp.float32) / np.sqrt(nin)
    inp["W_f1"] = jax.random.normal(ks[5], (ng, nf), dtype=jnp.float32) / np.sqrt(ng)
    inp["b_f1"] = jnp.zeros((nf,), dtype=jnp.float32)
    inp["W_f2"] = jax.random.normal(ks[6], (nf, nf), dtype=jnp.float32) / np.sqrt(nf)
    inp["b_f2"] = jnp.zeros((nf,), dtype=jnp.float32)
    inp["W_out"] = jax.random.normal(ks[7], (nf, nout), dtype=jnp.float32) / np.sqrt(nf)
    inp["b_out"] = jnp.zeros((nout,), dtype=jnp.float32)
    return inp


def reference(x, r_ij, neighbors, pairwise_mask, f_ij, W_in2f, W_f1, b_f1, W_f2, b_f2, W_out, b_out):
    # filter network: Dense(ng, nf, ssp) -> Dense(nf, nf)
    W = ssp(jnp.einsum("bang,gf->banf", f_ij, W_f1) + b_f1)
    W = jnp.einsum("banf,fh->banh", W, W_f2) + b_f2
    # cutoff_network is None -> no cutoff modulation
    # in2f dense (no bias)
    y = jnp.einsum("bai,if->baf", x, W_in2f)
    Nb, Na, Nn = neighbors.shape
    nbh = neighbors.reshape(Nb, Na * Nn, 1)
    y_g = jnp.take_along_axis(y, nbh, axis=1)
    y_g = y_g.reshape(Nb, Na, Nn, -1)
    y_g = y_g * W
    # Aggregate over neighbor axis with pairwise mask (sum, no mean)
    y_g = y_g * pairwise_mask[..., None]
    y_agg = jnp.sum(y_g, axis=2)
    # feature_out dense with bias, activation=None
    out = jnp.einsum("baf,fo->bao", y_agg, W_out) + b_out
    return out

if __name__ == "__main__":
    import jax
    _d = setup_inputs()
    print(jax.jit(kernel)(*tuple(_d.values())))

</pallas_src>

<mosaic_0001>
#map = affine_map<(d0, d1) -> (0, 0)>
module attributes {stable_mosaic.version = 14 : i64} {
  func.func @gather(%arg0: i32, %arg1: i32, %arg2: memref<4224x128xf32, #tpu.memory_space<hbm>>, %arg3: memref<2048x128xi32, #tpu.memory_space<hbm>>, %arg4: memref<262144x128xf32, #tpu.memory_space<hbm>>, %arg5: memref<64x128xi32, #tpu.memory_space<vmem>>, %arg6: memref<128x128xf32, #tpu.memory_space<vmem>>, %arg7: memref<!tpu.dma_semaphore, #tpu.memory_space<semaphore_mem>>) attributes {dimension_semantics = [#tpu.dimension_semantics<core_parallel>, #tpu.dimension_semantics<subcore_parallel>], iteration_bounds = array<i64: 2, 16>, scalar_prefetch = 0 : i64, scratch_operands = 3 : i64, tpu.core_type = #tpu.core_type<sc_vector_subcore>, window_params = [{transform_indices = #map}, {transform_indices = #map}, {transform_indices = #map}]} {
    %mul3A = arith.constant 2 : i32
    %mul3A_0 = arith.muli %arg1, %mul3A : i32
    %add3A = arith.addi %mul3A_0, %arg0 : i32
    %mul3A_1 = arith.constant 64 : i32
    %mul3A_2 = arith.muli %add3A, %mul3A_1 : i32
    "tpu.region"() ({
      %run_scoped3A = tpu.sem_alloc : memref<!tpu.dma_semaphore, #tpu.memory_space<semaphore_mem>>
      %dma_start3A = arith.constant 0 : i32
      %dma_start3A_8 = tpu.memref_slice %arg3[%mul3A_2, %dma_start3A] : memref<2048x128xi32, #tpu.memory_space<hbm>> -> memref<64x128xi32, #tpu.memory_space<hbm>>
      %dma_start3A_9 = arith.constant 0 : i32
      %dma_start3A_10 = tpu.memref_slice %arg3[%mul3A_2, %dma_start3A_9] : memref<2048x128xi32, #tpu.memory_space<hbm>> -> memref<64x128xi32, #tpu.memory_space<hbm>>
      tpu.enqueue_dma source(%dma_start3A_10 : memref<64x128xi32, #tpu.memory_space<hbm>>) target(%arg5 : memref<64x128xi32, #tpu.memory_space<vmem>>) target_semaphore(%run_scoped3A : memref<!tpu.dma_semaphore, #tpu.memory_space<semaphore_mem>>)
      %dma_wait3A = arith.constant 0 : i32
      %dma_wait3A_11 = tpu.memref_slice %arg3[%mul3A_2, %dma_wait3A] : memref<2048x128xi32, #tpu.memory_space<hbm>> -> memref<64x128xi32, #tpu.memory_space<hbm>>
      %dma_wait3A_12 = arith.constant 0 : i32
      %dma_wait3A_13 = tpu.memref_slice %arg3[%mul3A_2, %dma_wait3A_12] : memref<2048x128xi32, #tpu.memory_space<hbm>> -> memref<64x128xi32, #tpu.memory_space<hbm>>
      tpu.wait_dma2 semaphore(%run_scoped3A : memref<!tpu.dma_semaphore, #tpu.memory_space<semaphore_mem>>) src(%dma_wait3A_13 : memref<64x128xi32, #tpu.memory_space<hbm>>) dst(%arg5 : memref<64x128xi32, #tpu.memory_space<vmem>>)
      tpu.yield
    }) : () -> ()
    %scan3A = arith.constant 0 : i32
    %scan3A_3 = arith.constant 0 : i32
    %scan3A_4 = arith.constant 64 : i32
    %scan3A_5 = arith.addi %scan3A_3, %scan3A_4 : i32
    %scan3A_6 = arith.constant 1 : i32
    scf.for %scan3A_8 = %scan3A_3 to %scan3A_5 step %scan3A_6  : i32 {
      %dma_start3A = arith.constant 0 : i32
      %dma_start3A_9 = tpu.memref_slice %arg5[%scan3A_8, %dma_start3A] : memref<64x128xi32, #tpu.memory_space<vmem>> -> memref<1x128xi32, #tpu.memory_space<vmem>>
      %dma_start3A_10 = tpu.memref_squeeze %dma_start3A_9 : memref<1x128xi32, #tpu.memory_space<vmem>> -> memref<128xi32, #tpu.memory_space<vmem>>
      %dma_start3A_11 = arith.constant 0 : i32
      %dma_start3A_12 = arith.constant 0 : i32
      %dma_start3A_13 = tpu.memref_slice %arg2[%dma_start3A_11, %dma_start3A_12] : memref<4224x128xf32, #tpu.memory_space<hbm>> -> memref<4224x128xf32, #tpu.memory_space<hbm>>
      tpu.enqueue_indirect_dma source(%dma_start3A_13 : memref<4224x128xf32, #tpu.memory_space<hbm>>) target(%arg6 : memref<128x128xf32, #tpu.memory_space<vmem>>) offsets(%dma_start3A_10 : memref<128xi32, #tpu.memory_space<vmem>>) semaphore(%arg7 : memref<!tpu.dma_semaphore, #tpu.memory_space<semaphore_mem>>)
      %dma_wait3A = arith.constant 0 : i32
      %dma_wait3A_14 = tpu.memref_slice %arg5[%scan3A_8, %dma_wait3A] : memref<64x128xi32, #tpu.memory_space<vmem>> -> memref<1x128xi32, #tpu.memory_space<vmem>>
      %dma_wait3A_15 = tpu.memref_squeeze %dma_wait3A_14 : memref<1x128xi32, #tpu.memory_space<vmem>> -> memref<128xi32, #tpu.memory_space<vmem>>
      %dma_wait3A_16 = arith.constant 0 : i32
      %dma_wait3A_17 = arith.constant 0 : i32
      %dma_wait3A_18 = tpu.memref_slice %arg2[%dma_wait3A_16, %dma_wait3A_17] : memref<4224x128xf32, #tpu.memory_space<hbm>> -> memref<4224x128xf32, #tpu.memory_space<hbm>>
      tpu.wait_indirect_dma semaphore(%arg7 : memref<!tpu.dma_semaphore, #tpu.memory_space<semaphore_mem>>) src(%dma_wait3A_18 : memref<4224x128xf32, #tpu.memory_space<hbm>>) dst(%arg6 : memref<128x128xf32, #tpu.memory_space<vmem>>)
      %mul3A_19 = arith.constant 8192 : i32
      %mul3A_20 = arith.muli %add3A, %mul3A_19 : i32
      %mul3A_21 = arith.constant 128 : i32
      %mul3A_22 = arith.muli %scan3A_8, %mul3A_21 : i32
      %add3A_23 = arith.addi %mul3A_20, %mul3A_22 : i32
      "tpu.region"() ({
        %run_scoped3A = tpu.sem_alloc : memref<!tpu.dma_semaphore, #tpu.memory_space<semaphore_mem>>
        %dma_start3A_24 = arith.constant 0 : i32
        %dma_start3A_25 = tpu.memref_slice %arg4[%add3A_23, %dma_start3A_24] : memref<262144x128xf32, #tpu.memory_space<hbm>> -> memref<128x128xf32, #tpu.memory_space<hbm>>
        %dma_start3A_26 = arith.constant 0 : i32
        %dma_start3A_27 = tpu.memref_slice %arg4[%add3A_23, %dma_start3A_26] : memref<262144x128xf32, #tpu.memory_space<hbm>> -> memref<128x128xf32, #tpu.memory_space<hbm>>
        tpu.enqueue_dma source(%arg6 : memref<128x128xf32, #tpu.memory_space<vmem>>) target(%dma_start3A_27 : memref<128x128xf32, #tpu.memory_space<hbm>>) target_semaphore(%run_scoped3A : memref<!tpu.dma_semaphore, #tpu.memory_space<semaphore_mem>>)
        %dma_wait3A_28 = arith.constant 0 : i32
        %dma_wait3A_29 = tpu.memref_slice %arg4[%add3A_23, %dma_wait3A_28] : memref<262144x128xf32, #tpu.memory_space<hbm>> -> memref<128x128xf32, #tpu.memory_space<hbm>>
        %dma_wait3A_30 = arith.constant 0 : i32
        %dma_wait3A_31 = tpu.memref_slice %arg4[%add3A_23, %dma_wait3A_30] : memref<262144x128xf32, #tpu.memory_space<hbm>> -> memref<128x128xf32, #tpu.memory_space<hbm>>
        tpu.wait_dma2 semaphore(%run_scoped3A : memref<!tpu.dma_semaphore, #tpu.memory_space<semaphore_mem>>) src(%arg6 : memref<128x128xf32, #tpu.memory_space<vmem>>) dst(%dma_wait3A_31 : memref<128x128xf32, #tpu.memory_space<hbm>>)
        tpu.yield
      }) : () -> ()
    }
    %scan3A_7 = arith.constant 64 : i32
    return
  }
}

module attributes {stable_mosaic.version = 14 : i64} {
  func.func @_table_body(%arg0: memref<4096x128xf32, #tpu.memory_space<vmem>>, %arg1: memref<128x128xf32, #tpu.memory_space<vmem>>, %arg2: memref<4224x128xf32, #tpu.memory_space<vmem>>) attributes {dimension_semantics = [], scalar_prefetch = 0 : i64, scratch_operands = 0 : i64, tpu.core_type = #tpu.core_type<tc>} {
    %get3A = arith.constant 0 : index
    %get3A_0 = arith.constant 0 : index
    %get3A_1 = vector.load %arg0[%get3A, %get3A_0] : memref<4096x128xf32, #tpu.memory_space<vmem>>, vector<4096x128xf32>
    %get3A_2 = arith.constant 0 : index
    %get3A_3 = arith.constant 0 : index
    %get3A_4 = vector.load %arg1[%get3A_2, %get3A_3] : memref<128x128xf32, #tpu.memory_space<vmem>>, vector<128x128xf32>
    %dot_general3A = arith.constant dense<0.000000e+00> : vector<4096x128xf32>
    %dot_general3A_5 = tpu.matmul %get3A_1, %get3A_4, %dot_general3A {dimension_numbers = #tpu.dot_dimension_numbers<[1], [0], [0], [1], [0, 0, 1, 1], [], []>, transpose_lhs_hint = false} : vector<4096x128xf32>, vector<128x128xf32>, vector<4096x128xf32> -> vector<4096x128xf32>
    %swap3A = arith.constant 0 : index
    %swap3A_6 = arith.constant 0 : index
    %swap3A_7 = vector.load %arg2[%swap3A, %swap3A_6] : memref<4224x128xf32, #tpu.memory_space<vmem>>, vector<4096x128xf32>
    tpu.vector_store %arg2[%swap3A, %swap3A_6], %dot_general3A_5 {strides = array<i32>} : memref<4224x128xf32, #tpu.memory_space<vmem>>, vector<4096x128xf32>,
    %broadcast_in_dim3A = arith.constant 0.000000e+00 : f32
    %broadcast_in_dim3A_8 = vector.broadcast %broadcast_in_dim3A : f32 to vector<128x128xf32>
    %swap3A_9 = arith.constant 4096 : index
    %swap3A_10 = arith.constant 0 : index
    %swap3A_11 = vector.load %arg2[%swap3A_9, %swap3A_10] : memref<4224x128xf32, #tpu.memory_space<vmem>>, vector<128x128xf32>
    tpu.vector_store %arg2[%swap3A_9, %swap3A_10], %broadcast_in_dim3A_8 {strides = array<i32>} : memref<4224x128xf32, #tpu.memory_space<vmem>>, vector<128x128xf32>,
    return
  }
}

module attributes {stable_mosaic.version = 14 : i64} {
  func.func @_main_body(%arg0: i32, %arg1: memref<1x50x64x128xf32, #tpu.memory_space<vmem>>, %arg2: memref<1x8192x128xf32, #tpu.memory_space<vmem>>, %arg3: memref<50x128xf32, #tpu.memory_space<vmem>>, %arg4: memref<1x128xf32, #tpu.memory_space<vmem>>, %arg5: memref<128x128xf32, #tpu.memory_space<vmem>>, %arg6: memref<1x128xf32, #tpu.memory_space<vmem>>, %arg7: memref<128x128xf32, #tpu.memory_space<vmem>>, %arg8: memref<1x128xf32, #tpu.memory_space<vmem>>, %arg9: memref<1x128x128xf32, #tpu.memory_space<vmem>>) attributes {dimension_semantics = [#tpu.dimension_semantics<arbitrary>], iteration_bounds = array<i64: 32>, scalar_prefetch = 0 : i64, scratch_operands = 0 : i64, tpu.core_type = #tpu.core_type<tc>, window_params = [{transform_indices = @transform_0, window_bounds = array<i64: 1, 50, 64, 128>}, {transform_indices = @transform_1, window_bounds = array<i64: 1, 8192, 128>}, {pipeline_mode = #tpu.pipeline_mode<synchronous>, transform_indices = @transform_2, window_bounds = array<i64: 50, 128>}, {pipeline_mode = #tpu.pipeline_mode<synchronous>, transform_indices = @transform_3, window_bounds = array<i64: 1, 128>}, {pipeline_mode = #tpu.pipeline_mode<synchronous>, transform_indices = @transform_4, window_bounds = array<i64: 128, 128>}, {pipeline_mode = #tpu.pipeline_mode<synchronous>, transform_indices = @transform_5, window_bounds = array<i64: 1, 128>}, {pipeline_mode = #tpu.pipeline_mode<synchronous>, transform_indices = @transform_6, window_bounds = array<i64: 128, 128>}, {pipeline_mode = #tpu.pipeline_mode<synchronous>, transform_indices = @transform_7, window_bounds = array<i64: 1, 128>}, {transform_indices = @transform_8, window_bounds = array<i64: 1, 128, 128>}]} {
    %get3A = arith.constant 0 : index
    %get3A_0 = arith.constant 0 : index
    %get3A_1 = arith.constant 0 : index
    %get3A_2 = arith.constant 0 : index
    %get3A_3 = vector.load %arg1[%get3A, %get3A_0, %get3A_1, %get3A_2] : memref<1x50x64x128xf32, #tpu.memory_space<vmem>>, vector<1x50x64x128xf32>
    %get3A_4 = vector.shape_cast %get3A_3 : vector<1x50x64x128xf32> to vector<50x64x128xf32>
    %reshape3A = vector.shape_cast %get3A_4 : vector<50x64x128xf32> to vector<50x8192xf32>
    %get3A_5 = arith.constant 0 : index
    %get3A_6 = arith.constant 0 : index
    %get3A_7 = vector.load %arg3[%get3A_5, %get3A_6] : memref<50x128xf32, #tpu.memory_space<vmem>>, vector<50x128xf32>
    %dot_general3A = arith.constant dense<0.000000e+00> : vector<8192x128xf32>
    %dot_general3A_8 = tpu.matmul %reshape3A, %get3A_7, %dot_general3A {dimension_numbers = #tpu.dot_dimension_numbers<[0], [0], [1], [1], [0, 1, 1, 1], [], []>, transpose_lhs_hint = false} : vector<50x8192xf32>, vector<50x128xf32>, vector<8192x128xf32> -> vector<8192x128xf32>
    %get3A_9 = arith.constant 0 : index
    %get3A_10 = arith.constant 0 : index
    %get3A_11 = vector.load %arg4[%get3A_9, %get3A_10] : memref<1x128xf32, #tpu.memory_space<vmem>>, vector<1x128xf32>
    %add3A = vector.broadcast %get3A_11 : vector<1x128xf32> to vector<8192x128xf32>
    %add3A_12 = arith.addf %dot_general3A_8, %add3A : vector<8192x128xf32>
    %exp3A = math.exp %add3A_12 : vector<8192x128xf32>
    %add3A_13 = arith.constant 1.000000e+00 : f32
    %add3A_14 = vector.broadcast %add3A_13 : f32 to vector<8192x128xf32>
    %add3A_15 = arith.addf %add3A_14, %exp3A : vector<8192x128xf32>
    %log3A = math.log %add3A_15 : vector<8192x128xf32>
    %log3A_16 = arith.constant 2.000000e+00 : f32
    %log3A_17 = math.log %log3A_16 : f32
    %div3A = vector.broadcast %log3A_17 : f32 to vector<8192x128xf32>
    %div3A_18 = arith.divf %log3A, %div3A : vector<8192x128xf32>
    %sub3A = arith.constant 1.000000e+00 : f32
    %sub3A_19 = vector.broadcast %sub3A : f32 to vector<8192x128xf32>
    %sub3A_20 = arith.subf %div3A_18, %sub3A_19 : vector<8192x128xf32>
    %mul3A = arith.constant 0.693147182 : f32
    %mul3A_21 = vector.broadcast %mul3A : f32 to vector<8192x128xf32>
    %mul3A_22 = arith.mulf %sub3A_20, %mul3A_21 : vector<8192x128xf32>
    %get3A_23 = arith.constant 0 : index
    %get3A_24 = arith.constant 0 : index
    %get3A_25 = vector.load %arg5[%get3A_23, %get3A_24] : memref<128x128xf32, #tpu.memory_space<vmem>>, vector<128x128xf32>
    %dot_general3A_26 = arith.constant dense<0.000000e+00> : vector<8192x128xf32>
    %dot_general3A_27 = tpu.matmul %mul3A_22, %get3A_25, %dot_general3A_26 {dimension_numbers = #tpu.dot_dimension_numbers<[1], [0], [0], [1], [0, 0, 1, 1], [], []>, transpose_lhs_hint = false} : vector<8192x128xf32>, vector<128x128xf32>, vector<8192x128xf32> -> vector<8192x128xf32>
    %get3A_28 = arith.constant 0 : index
    %get3A_29 = arith.constant 0 : index
    %get3A_30 = vector.load %arg6[%get3A_28, %get3A_29] : memref<1x128xf32, #tpu.memory_space<vmem>>, vector<1x128xf32>
    %add3A_31 = vector.broadcast %get3A_30 : vector<1x128xf32> to vector<8192x128xf32>
    %add3A_32 = arith.addf %dot_general3A_27, %add3A_31 : vector<8192x128xf32>
    %get3A_33 = arith.constant 0 : index
    %get3A_34 = arith.constant 0 : index
    %get3A_35 = arith.constant 0 : index
    %get3A_36 = vector.load %arg2[%get3A_33, %get3A_34, %get3A_35] : memref<1x8192x128xf32, #tpu.memory_space<vmem>>, vector<1x8192x128xf32>
    %get3A_37 = vector.shape_cast %get3A_36 : vector<1x8192x128xf32> to vector<8192x128xf32>
    %mul3A_38 = arith.mulf %add3A_32, %get3A_37 : vector<8192x128xf32>
    %reshape3A_39 = vector.shape_cast %mul3A_38 : vector<8192x128xf32> to vector<64x128x128xf32>
    %reduce_sum3A = arith.constant dense<0.000000e+00> : vector<128x128xf32>
    %reduce_sum3A_40 = vector.multi_reduction <add>, %reshape3A_39, %reduce_sum3A [0] : vector<64x128x128xf32> to vector<128x128xf32>
    %get3A_41 = arith.constant 0 : index
    %get3A_42 = arith.constant 0 : index
    %get3A_43 = vector.load %arg7[%get3A_41, %get3A_42] : memref<128x128xf32, #tpu.memory_space<vmem>>, vector<128x128xf32>
    %dot_general3A_44 = arith.constant dense<0.000000e+00> : vector<128x128xf32>
    %dot_general3A_45 = tpu.matmul %reduce_sum3A_40, %get3A_43, %dot_general3A_44 {dimension_numbers = #tpu.dot_dimension_numbers<[1], [0], [0], [1], [0, 0, 1, 1], [], []>, transpose_lhs_hint = false} : vector<128x128xf32>, vector<128x128xf32>, vector<128x128xf32> -> vector<128x128xf32>
    %get3A_46 = arith.constant 0 : index
    %get3A_47 = arith.constant 0 : index
    %get3A_48 = vector.load %arg8[%get3A_46, %get3A_47] : memref<1x128xf32, #tpu.memory_space<vmem>>, vector<1x128xf32>
    %add3A_49 = vector.broadcast %get3A_48 : vector<1x128xf32> to vector<128x128xf32>
    %add3A_50 = arith.addf %dot_general3A_45, %add3A_49 : vector<128x128xf32>
    %swap3A = arith.constant 0 : index
    %swap3A_51 = arith.constant 0 : index
    %swap3A_52 = arith.constant 0 : index
    %swap3A_53 = vector.load %arg9[%swap3A, %swap3A_51, %swap3A_52] : memref<1x128x128xf32, #tpu.memory_space<vmem>>, vector<1x128x128xf32>
    %swap3A_54 = vector.shape_cast %swap3A_53 : vector<1x128x128xf32> to vector<128x128xf32>
    %swap3A_55 = vector.shape_cast %add3A_50 : vector<128x128xf32> to vector<1x128x128xf32>
    tpu.vector_store %arg9[%swap3A, %swap3A_51, %swap3A_52], %swap3A_55 {strides = array<i32>} : memref<1x128x128xf32, #tpu.memory_space<vmem>>, vector<1x128x128xf32>,
    return
  }
  func.func @transform_0(%arg0: i32) -> (i32, i32, i32, i32) {
    %c0_i32 = arith.constant 0 : i32
    %c0_i32_0 = arith.constant 0 : i32
    %c0_i32_1 = arith.constant 0 : i32
    %c0_i32_2 = arith.constant 0 : i32
    return %arg0, %c0_i32, %c0_i32_0, %c0_i32_1 : i32, i32, i32, i32
  }
  func.func @transform_1(%arg0: i32) -> (i32, i32, i32) {
    %c0_i32 = arith.constant 0 : i32
    %c0_i32_0 = arith.constant 0 : i32
    %c0_i32_1 = arith.constant 0 : i32
    return %arg0, %c0_i32, %c0_i32_0 : i32, i32, i32
  }
  func.func @transform_2(%arg0: i32) -> (i32, i32) {
    %c0_i32 = arith.constant 0 : i32
    %c0_i32_0 = arith.constant 0 : i32
    %c0_i32_1 = arith.constant 0 : i32
    return %c0_i32, %c0_i32_0 : i32, i32
  }
  func.func @transform_3(%arg0: i32) -> (i32, i32) {
    %c0_i32 = arith.constant 0 : i32
    %c0_i32_0 = arith.constant 0 : i32
    %c0_i32_1 = arith.constant 0 : i32
    return %c0_i32, %c0_i32_0 : i32, i32
  }
  func.func @transform_4(%arg0: i32) -> (i32, i32) {
    %c0_i32 = arith.constant 0 : i32
    %c0_i32_0 = arith.constant 0 : i32
    %c0_i32_1 = arith.constant 0 : i32
    return %c0_i32, %c0_i32_0 : i32, i32
  }
  func.func @transform_5(%arg0: i32) -> (i32, i32) {
    %c0_i32 = arith.constant 0 : i32
    %c0_i32_0 = arith.constant 0 : i32
    %c0_i32_1 = arith.constant 0 : i32
    return %c0_i32, %c0_i32_0 : i32, i32
  }
  func.func @transform_6(%arg0: i32) -> (i32, i32) {
    %c0_i32 = arith.constant 0 : i32
    %c0_i32_0 = arith.constant 0 : i32
    %c0_i32_1 = arith.constant 0 : i32
    return %c0_i32, %c0_i32_0 : i32, i32
  }
  func.func @transform_7(%arg0: i32) -> (i32, i32) {
    %c0_i32 = arith.constant 0 : i32
    %c0_i32_0 = arith.constant 0 : i32
    %c0_i32_1 = arith.constant 0 : i32
    return %c0_i32, %c0_i32_0 : i32, i32
  }
  func.func @transform_8(%arg0: i32) -> (i32, i32, i32) {
    %c0_i32 = arith.constant 0 : i32
    %c0_i32_0 = arith.constant 0 : i32
    %c0_i32_1 = arith.constant 0 : i32
    return %arg0, %c0_i32, %c0_i32_0 : i32, i32, i32
  }
}

</mosaic_0001>

<sc_bundles>
// kernel: kernel.5.cloned.1.call-start
scs
__scs_entry_jumppad:
0x0: {  	(pc) =	sbr.rel $0x88, $3  }
0x1: {  	(tag) =	ssettag $0x0;
	lr =	simm.s32 $0x1  }
0x2: {  	[smem:$0x3F96] =	sst lr;
	_ =	strace $0xD0000000  }
0x3: {  	_ = 	snop  }
0x4: {  	_ = 	snop  }
0x5: {  	_ = 	snop  }
0x6: {  	_ = 	snop  }
0x7: {  	_ = 	snop  }
__scs_overlays_trampoline_lowered:
0x8: {  	[smem:$0x3FA5] =	sst s0  }
0x9: {  	[smem:$0x3FA6] =	sst s1  }
0xa: {  	[smem:$0x3FA7] =	sst s2  }
0xb: {  	[smem:$0x3FA8] =	sst s3  }
0xc: {  	[smem:$0x3FA9] =	sst s4  }
0xd: {  	[smem:$0x3FAA] =	sst s5  }
0xe: {  	[smem:$0x3FAB] =	sst s6  }
0xf: {  	[smem:$0x3FAC] =	sst s7  }
0x10: {  	[smem:$0x3FAD] =	sst s8  }
0x11: {  	[smem:$0x3FAE] =	sst s9;
	s0 =	simm.s32 @!p0 $0x0  }
0x12: {  	s1 =	sld [smem:$0x3F94];
	s0 =	simm.s32 @p0 $0x1  }
0x13: {  	[smem:$0x3FAF] =	sst s0;
	s0 =	simm.s32 @!p1 $0x0  }
0x14: {  	s2 =	sld [smem:$0x3F93];
	s0 =	simm.s32 @p1 $0x1  }
0x15: {  	[smem:$0x3FB0] =	sst s0;
	s0 =	simm.s32 @!p2 $0x0  }
0x16: {  	s3 =	sld [smem:$0x3FDB];
	s0 =	simm.s32 @p2 $0x1  }
0x17: {  	s4 =	simm.s32 $0x1BF5;
	[smem:$0x3FB2] =	sst s0  }
0x18: {  	s0 =	sld [smem:$0x3F95];
	_ =	swait.ge [sflag:s4], $0x0  }
0x19: {  	s7 =	sld [smem:$0x3F96]  }
0x1a: {  	s8 =	sadd.s32 $0xFFFFE003, lr  }
0x1b: {  	s9 =	sadd.s32 $0xFFFFFEF7, lr;
	s5 =	simm.s32 $0xFFFFFFFF;
	p2 =	slt.u32 s8, $0xFFFFF086  }
0x1c: {  	p1 =	slt.u32 s9, $0xF7A;
	s5 =	simm.s32 @!p2 $0x0  }
0x1d: {  	s5 =	simm.s32 @p1 $0x1;
	p0 =	seq.s32 s7, s2  }
0x1e: {  	s7 =	smul.u32 @!p0 $0xF7A, s2;
	p2 =	seq.s32 @!p0 s5, $0x0  }
0x1f: {  	s9 =	smul.u32 $0xF7A, s1;
	s8 =	simm.s32 @!p0 $0x1BF5;
	p2 =	por !p2, p0  }
0x20: {  	[sflag:s8] =	ssyncset.s32 @!p0 $0xFFFFF086;
	s6 =	sadd.s32 @!p0 s3, s7;
	s7 =	simm.s32 @!p0 $0x108  }
0x21: {  	s3 =	sadd.s32 s3, s9;
	s6 =	sadd.s32 @!p0 $0x88, s6;
	s7 =	simm.s32 @p2 $0x1082  }
0x22: {  	[simem:s7], [sflag:s8] =	dma.local @!p0 [hbm:s6], $0xF7A  }
0x23: {  	s9 =	sor.u32 $0xD0000000, s2;
	s6 =	simm.s32 $0x108;
	_ =	swait.ge @!p0 [sflag:s8], $0x0  }
0x24: {  	s3 =	sadd.s32 $0x88, s3;
	s6 =	simm.s32 @!p1 $0x1082;
	[sflag:s4] =	ssyncset.s32 $0xFFFFF086  }
0x25: {  	[simem:s6], [sflag:s4] =	dma.local [hbm:s3], $0xF7A  }
0x26: {  	[smem:$0x3F96] =	sst s1;
	(tag) =	ssettag s2;
	_ =	strace s9  }
0x27: {  	s1 =	sld [smem:$0x3FA6]  }
0x28: {  	s2 =	sld [smem:$0x3FA7]  }
0x29: {  	s4 =	sld [smem:$0x3FA9]  }
0x2a: {  	p0 =	seq.s32 s5, $0x0;
	s5 =	sld [smem:$0x3FAA]  }
0x2b: {  	s6 =	sld [smem:$0x3FAB]  }
0x2c: {  	s7 =	sld [smem:$0x3FAC]  }
0x2d: {  	s3 =	simm.s32 $0x108;
	s8 =	sld [smem:$0x3FAD]  }
0x2e: {  	s3 =	simm.s32 @!p0 $0x1082;
	s9 =	sld [smem:$0x3FAE]  }
0x2f: {  	lr =	sadd.s32 s0, s3;
	s0 =	sld [smem:$0x3FA5]  }
0x30: {  	s3 =	sld [smem:$0x3FA8]  }
0x31: {  	[smem:$0x3FB1] =	sst s10  }
0x32: {  	s10 =	sld [smem:$0x3FAF];
	_ =	sdelay $0x3  }
0x33: {  	p0 =	seq.s32 s10, $0x1;
	s10 =	sld [smem:$0x3FB1];
	_ =	sdelay $0x3  }
0x34: {  	[smem:$0x3FB1] =	sst s10  }
0x35: {  	s10 =	sld [smem:$0x3FB0];
	_ =	sdelay $0x3  }
0x36: {  	p1 =	seq.s32 s10, $0x1;
	s10 =	sld [smem:$0x3FB1];
	_ =	sdelay $0x3  }
0x37: {  	[smem:$0x3FB1] =	sst s10  }
0x38: {  	s10 =	sld [smem:$0x3FB2]  }
0x39: {  	_ = 	snop;
	(pc) =	sbr.ind lr, $3  }
0x3a: {  	_ = 	snop  }
0x3b: {  	_ = 	snop  }
0x3c: {  	p2 =	seq.s32 s10, $0x1;
	s10 =	sld [smem:$0x3FB1]  }
0x3d: {  	_ =	shalt  }
0x3e: {  	_ =	shalt  }
0x3f: {  	_ =	shalt  }
0x40: {  	_ =	shalt  }
0x41: {  	_ =	shalt  }
0x42: {  	_ =	shalt  }
0x43: {  	_ =	shalt  }
0x44: {  	_ =	shalt  }
0x45: {  	_ =	shalt  }
0x46: {  	_ =	shalt  }
0x47: {  	_ =	shalt  }
0x48: {  	_ =	shalt  }
0x49: {  	_ =	shalt  }
0x4a: {  	_ =	shalt  }
0x4b: {  	_ =	shalt  }
0x4c: {  	_ =	shalt  }
0x4d: {  	_ =	shalt  }
0x4e: {  	_ =	shalt  }
0x4f: {  	_ =	shalt  }
0x50: {  	_ =	shalt  }
0x51: {  	_ =	shalt  }
0x52: {  	_ =	shalt  }
0x53: {  	_ =	shalt  }
0x54: {  	_ =	shalt  }
0x55: {  	_ =	shalt  }
0x56: {  	_ =	shalt  }
0x57: {  	_ =	shalt  }
0x58: {  	_ =	shalt  }
0x59: {  	_ =	shalt  }
0x5a: {  	_ =	shalt  }
0x5b: {  	_ =	shalt  }
0x5c: {  	_ =	shalt  }
0x5d: {  	_ =	shalt  }
0x5e: {  	_ =	shalt  }
0x5f: {  	_ =	shalt  }
0x60: {  	_ =	shalt  }
0x61: {  	_ =	shalt  }
0x62: {  	_ =	shalt  }
0x63: {  	_ =	shalt  }
0x64: {  	_ =	shalt  }
0x65: {  	_ =	shalt  }
0x66: {  	_ =	shalt  }
0x67: {  	_ =	shalt  }
0x68: {  	_ =	shalt  }
0x69: {  	_ =	shalt  }
0x6a: {  	_ =	shalt  }
0x6b: {  	_ =	shalt  }
0x6c: {  	_ =	shalt  }
0x6d: {  	_ =	shalt  }
0x6e: {  	_ =	shalt  }
0x6f: {  	_ =	shalt  }
0x70: {  	_ =	shalt  }
0x71: {  	_ =	shalt  }
0x72: {  	_ =	shalt  }
0x73: {  	_ =	shalt  }
0x74: {  	_ =	shalt  }
0x75: {  	_ =	shalt  }
0x76: {  	_ =	shalt  }
0x77: {  	_ =	shalt  }
0x78: {  	_ =	shalt  }
0x79: {  	_ =	shalt  }
0x7a: {  	_ =	shalt  }
0x7b: {  	_ =	shalt  }
0x7c: {  	_ =	shalt  }
0x7d: {  	_ =	shalt  }
0x7e: {  	_ =	shalt  }
0x7f: {  	_ =	shalt  }
0x80: {  	_ =	shalt  }
0x81: {  	_ =	shalt  }
0x82: {  	_ =	shalt  }
0x83: {  	_ =	shalt  }
0x84: {  	_ =	shalt  }
0x85: {  	_ =	shalt  }
0x86: {  	_ =	shalt  }
0x87: {  	_ =	shalt  }
.Lfunc_end0:
.L_simem_size_0:
called_computation_lowered:
.L_overlay_start_0:
0x88: {  	s2 =	sld [smem:$0x3FD9]  }
0x89: {  	s3 =	sld [smem:$0x3FFE];
	_ =	sdelay $0x1  }
0x8a: {  	s1 =	srdreg.scid  }
0x8b: {  	s0 =	sand.u32 $0x1, s1  }
0x8c: {  	s17 =	sshll.u32 s0, $0xA;
	s2 =	sadd.s32 s3, s2  }
0x8d: {  	s2 =	sadd.s32 s2, s17  }
0x8e: {  	[smem:$0x3FBD] =	sst s2  }
0x8f: {  	_ = 	snop  }
0x90: {  	s2 =	sld [smem:$0x3FD0];
	(tm) =	ssettm $0x1  }
0x91: {  	s18 =	sld [smem:$0x3FFB];
	_ =	sdelay $0x3  }
0x92: {  	_ =	strace s18  }
0x93: {  	s3 =	sld [smem:$0x3FFC];
	_ =	sdelay $0x3  }
0x94: {  	_ =	strace s3  }
0x95: {  	s3 =	sld [smem:$0x3FFD];
	_ =	sdelay $0x3  }
0x96: {  	_ =	strace s3  }
0x97: {  	_ =	strace $0x8FFFFFFF  }
0x98: {  	s19 =	sld [smem:$0x3FDB];
	_ =	sdelay $0x1  }
0x99: {  	s4 =	simm.s32 $_scs_section_size  }
0x9a: {  	s5 =	simm.s32 $_size__tile_overlayer_lowered;
	s6 =	simm.s32 $_tile_overlayer_lowered  }
0x9b: {  	s22 =	simm.s32 $0x1BFF;
	s21 =	sshll.u32 s6, $0x1;
	s3 =	sadd.s32 s4, s19  }
0x9c: {  	s7 =	simm.s32 $0x0;
	s20 =	sshll.u32 s5, $0x1;
	s5 =	sadd.s32 s21, s3  }
0x9d: {  	[timem:s7], [sflag:s22] =	dma.local [hbm:s5], s20  }
0x9e: {  	_ =	swait.ge [sflag:s22], s20  }
0x9f: {  	s4 =	ssub.s32 $0x0, s20;
	[sflag:s22] =	ssyncset.done $0x0  }
0xa0: {  	[sflag:s22] =	ssyncadd.s32 s4;
	_ =	sdelay $0x1  }
0xa1: {  	s23 =	simm.s32 $0x1B8B  }
0xa2: {  	_ =	swait.ge [sflag:s23], $0x1  }
0xa3: {  	[sflag:s23] =	ssyncset.done $0x0  }
0xa4: {  	s25 =	simm.s32 $0x1B8E;
	s24 =	sld [smem:$0x3FFE];
	[sflag:s23] =	ssyncadd.s32 $0xFFFFFFFF  }
0xa5: {  	s26 =	simm.s32 $execute0_lowered;
	[smem:$0x3FD2] =	sst s25  }
0xa6: {  	s5 =	sshll.u32 s26, $0x1;
	_ =	strace $0x80000046;
	[dreg:$0x1] =	wrdreg $0xFFFFFFFF  }
0xa7: {  	s28 =	simm.s32 $_size_execute0_lowered;
	s3 =	sadd.s32 s3, s5;
	[dreg:$0x0] =	wrdreg $0x0  }
0xa8: {  	s5 =	sshll.u32 s28, $0x1;
	[dreg:$0x2] =	wrdreg s3  }
0xa9: {  	[dreg:$0x3] =	wrdreg s5  }
0xaa: {  	[dreg:$0x4] =	wrdreg $0xC0  }
0xab: {  	_ =	task [dreg:s7], $0x5FFFF  }
0xac: {  	[dreg:$0x1] =	wrdreg $0xFFFFFFFF  }
0xad: {  	[dreg:$0x0] =	wrdreg $0x60  }
0xae: {  	[dreg:$0x2] =	wrdreg s24  }
0xaf: {  	[dreg:$0x3] =	wrdreg s2  }
0xb0: {  	[dreg:$0x4] =	wrdreg $0x9  }
0xb1: {  	_ =	task.clear_ibuf [dreg:s7], $0x5FFFF;
	_ =	strace $0x90000046  }
0xb2: {  	s29 =	simm.s32 $0x9;
	_ =	strace $0x80000048  }
0xb3: {  	_ =	swait.ge [sflag:s29], $0x1  }
0xb4: {  	[sflag:s29] =	ssyncadd.s32 $0xFFFFFFFF  }
0xb5: {  	_ =	strace $0x90000048  }
0xb6: {  	_ =	sfence  }
0xb7: {  	s30 =	sld [smem:$0x0];
	_ =	sdelay $0x2  }
0xb8: {  	s31 =	sshll.u32 s1, $0xD;
	s1 =	sshrl.u32 s1, $0x2  }
0xb9: {  	s3 =	sand.u32 $0x4000, s31;
	s1 =	sadd.s32 s1, s30  }
0xba: {  	s0 =	sor.u32 s3, s0;
	s1 =	sshll.u32 s1, $0x11  }
0xbb: {  	s0 =	sor.u32 s1, s0  }
0xbc: {  	s0 =	sadd.s32 $0x8F2B, s0  }
0xbd: {  	[sflag:s0] =	ssyncadd.remote.s32 $0x1  }
0xbe: {  	_ =	sfence.sel $0xFFFF  }
0xbf: {  	[dreg:$0x0] =	wrdreg $0xFFFFFFFF;
	(pc) =	sbr.abs _section_cstart, $3  }
0xc0: {  	[dreg:$0x1] =	wrdreg $0xFFFFFFFF  }
0xc1: {  	_ =	task.clear_ibuf [dreg:s7], $0x2FFFF;
	_ =	strace $0x9FFFFFFF  }
0xc2: {  	(tm) =	ssettm $0x7FFFFFFF  }
0xc3: {  	_ =	shalt  }
tec
execute0_lowered:
.L_overlay_start_1:
0x0: {  	(tag) =	ssettag $0x1  }
0x1: {  	s4 =	rddreg [dreg:$0x0]  }
0x2: {  	s5 =	rddreg [dreg:$0x1]  }
0x3: {  	s0 =	rddreg [dreg:$0x2];
	s2 =	simm.s32 $0x0  }
0x4: {  	s1 =	stileid.u32;
	s3 =	srdreg.scid;
	s11 =	simm.s32 $0x0  }
0x5: {  	[smem:$0x7FF] =	sst s2;
	s6 =	sshll.u32 s1, $0x12;
	s7 =	sand.u32 $0x1, s3  }
0x6: {  	s3 =	sadd.s32 $0x1A00, s4;
	s9 =	sshll.u32 s1, $0xB;
	_ =	strace $0x80000047  }
0x7: {  	s6 =	sadd.s32 s6, s4;
	s30 =	ssub.s32 $0x2, s7;
	s10 =	sshll.u32 s7, $0xA  }
0x8: {  	s7 =	sshll.u32 s7, $0x11;
	s8 =	sshrl.u32 s30, $0x1;
	s31 =	sor.u32 s10, s9  }
0x9: {  	s6 =	sadd.s32 s7, s6;
	s7 =	simm.s32 $0x2;
	s9 =	simm.s32 $0x2000  }
0xa: {  	s10 =	simm.s32 $0x1;
	s8 =	ssub.s32 s30, s8;
	s4 =	sadd.s32 s5, s31  }
0xb: {  	s6 =	sadd.s32 $0x12200, s6;
	s5 =	smax.u32 s8, $0x1;
	s8 =	simm.s32 $0x80  }
.LBB2_1:
0xc: {  	[tilespmem:s2], [sflag:$0x2] =	stream.linear.gather [hbm4b:s4+s2], $0x2000, $0x38;
	[tilespmem:$0x6000] =	vst v63  }
0xd: {  	_ =	swait.ge [sflag:s7], $0x2000  }
0xe: {  	[sflag:s7] =	ssyncset.done $0x0  }
0xf: {  	s12 =	simm.s32 $0x0;
	[sflag:s7] =	ssyncadd.s32 $0xFFFFE000  }
0x10: {  	[tilespmem:s9], [sflag:$0x1] =	stream.indirect.gather [hbm4b:s3+s8], $0x80, s12, s8, $0xb8;
	[tilespmem:$0x6000] =	vst v63  }
0x11: {  	_ =	swait.ge [sflag:s10], $0x4000  }
0x12: {  	[sflag:s10] =	ssyncset.done $0x0  }
0x13: {  	[sflag:s10] =	ssyncadd.s32 $0xFFFFC000  }
0x14: {  	[hbm4b:s6+s2] =	stream.linear.scatter [tilespmem:s9], [sflag:$0x2], $0x4000, $0x38;
	[tilespmem:$0x6000] =	vst v63  }
0x15: {  	s13 =	simm.s32 $0x200;
	_ =	swait.ge [sflag:s7], $0x4000  }
0x16: {  	s14 =	simm.s32 $0x400;
	s12 =	sadd.s32 $0x800, s6;
	[sflag:s7] =	ssyncset.done $0x0  }
.LBB2_2:
0x17: {  	s15 =	sshra.s32 s13, $0x2  }
0x18: {  	[sflag:s7] =	ssyncadd.s32 $0xFFFFC000;
	s13 =	smov.u32 s14;
	s16 =	sadd.s32 $0x200, s14  }
0x19: {  	[tilespmem:s9], [sflag:$0x1] =	stream.indirect.gather [hbm4b:s3+s8], $0x80, s15, s8, $0xb8;
	[tilespmem:$0x6000] =	vst v63  }
0x1a: {  	p0 =	sne.s32 s14, $0x7E00;
	_ =	swait.ge [sflag:s10], $0x4000  }
.Ltmp0:
0x1b: {  	[sflag:s10] =	ssyncset.done $0x0;
	(pc) =	sbr.rel @p0 .LBB2_2-.Ltmp0, $4  }
0x1c: {  	[sflag:s10] =	ssyncadd.s32 $0xFFFFC000  }
0x1d: {  	[hbm4b:s12+s2] =	stream.linear.scatter [tilespmem:s9], [sflag:$0x2], $0x4000, $0x38;
	[tilespmem:$0x6000] =	vst v63  }
0x1e: {  	_ =	swait.ge [sflag:s7], $0x4000  }
0x1f: {  	s14 =	smov.u32 s16;
	s12 =	sadd.s32 $0x800, s12;
	[sflag:s7] =	ssyncset.done $0x0  }
0x20: {  	s13 =	sshra.s32 s13, $0x2;
	[sflag:s7] =	ssyncadd.s32 $0xFFFFC000  }
0x21: {  	[tilespmem:s9], [sflag:$0x1] =	stream.indirect.gather [hbm4b:s3+s8], $0x80, s13, s8, $0xb8;
	[tilespmem:$0x6000] =	vst v63  }
0x22: {  	s11 =	sadd.s32 $0x1, s11;
	_ =	swait.ge [sflag:s10], $0x4000  }
0x23: {  	p0 =	sne.s32 s11, s5;
	[sflag:s10] =	ssyncset.done $0x0  }
.Ltmp1:
0x24: {  	[sflag:s10] =	ssyncadd.s32 $0xFFFFC000;
	(pc) =	sbr.rel @p0 .LBB2_1-.Ltmp1, $4  }
0x25: {  	[hbm4b:s12+s2] =	stream.linear.scatter [tilespmem:s9], [sflag:$0x2], $0x4000, $0x38;
	[tilespmem:$0x6000] =	vst v63  }
0x26: {  	_ =	swait.ge [sflag:s7], $0x4000  }
0x27: {  	[sflag:s7] =	ssyncset.done $0x0  }
0x28: {  	[sflag:s7] =	ssyncadd.s32 $0xFFFFC000  }
0x29: {  	_ =	sfence.sel $0x180000  }
0x2a: {  	[bflag:$0x0] =	sbarrier.arrive $0xFFFF  }
0x2b: {  	p0 =	sne.s32 s1, $0x0;
	_ =	strace $0x90000047  }
0x2c: {  	s0 =	sadd.s32 @!p0 $0x100000, s0;
	[bflag:$0x2] =	sbarrier.arrive $0xFFFF  }
0x2d: {  	[sflag:s0] =	ssyncadd.tile.s32 @!p0 $0x1;
	_ =	shalt  }
.Lfunc_end2:
_tile_overlayer_lowered:
.L_overlay_start_2:
0x2e: {  	(tag) =	ssettag $0x2  }
0x2f: {  	s0 =	rddreg [dreg:$0x0];
	s2 =	stileid.u32  }
0x30: {  	s1 =	rddreg [dreg:$0x1];
	p0 =	sne.s32 s2, $0x0  }
0x31: {  	s3 =	rddreg [dreg:$0x2];
	[bflag:$0x3] =	sbarrier.arrive $0xFFFF;
	s2 =	simm.s32 @!p0 $0x1C02  }
0x32: {  	[timem:s3], [sflag:s2] =	dma.local @!p0 [hbm:s0], s1  }
0x33: {  	s0 =	simm.s32 @!p0 $0x2  }
0x34: {  	_ =	swait.ge @!p0 [sflag:s0], s1  }
0x35: {  	s1 =	ssub.s32 @!p0 $0x0, s1;
	[sflag:s0] =	ssyncset.done @!p0 $0x0  }
0x36: {  	[sflag:s0] =	ssyncadd.s32 @!p0 s1  }
0x37: {  	[bflag:$0x3] =	sbarrier.arrive $0xFFFF  }
0x38: {  	_ =	shalt  }

</sc_bundles>
